<compile_context>
chip_gen: v7x
topology: tpu7x:2x2x1
jax: 0.10.2.dev20260603
libtpu: 0.0.44.dev20260713+nightly
codegen_flags: <defaults>
</compile_context>

<pallas_src>
import functools

import jax
import jax.numpy as jnp
from jax import lax
from jax.experimental import pallas as pl
from jax.experimental.pallas import tpu as pltpu
from jax.experimental.pallas import tpu_sc as plsc

_K = 3
_M = 4
_L = 16


def _build_adj_t(ei, n, e):
    info = plsc.get_sparse_core_info()
    nw = info.num_cores * info.num_subcores
    rows = n // nw
    mesh = plsc.VectorSubcoreMesh(core_axis_name="c", subcore_axis_name="s")

    @functools.partial(
        pl.kernel,
        mesh=mesh,
        out_type=jax.ShapeDtypeStruct((n, n), jnp.float32),
        scratch_types=[
            pltpu.VMEM((e,), jnp.int32),
            pltpu.VMEM((e,), jnp.int32),
            pltpu.VMEM((rows, n), jnp.float32),
            pltpu.SemaphoreType.DMA,
            pltpu.SemaphoreType.DMA,
        ],
        compiler_params=pltpu.CompilerParams(needs_layout_passes=False),
    )
    def sc_scatter(src_hbm, dst_hbm, t_hbm, src_v, dst_v, slab, sem1, sem2):
        wid = lax.axis_index("s") * info.num_cores + lax.axis_index("c")
        base = wid * rows
        cp1 = pltpu.async_copy(src_hbm, src_v, sem1)
        cp2 = pltpu.async_copy(dst_hbm, dst_v, sem2)

        zeros = jnp.zeros((_L,), jnp.float32)
        npl = n // _L

        @plsc.parallel_loop(0, rows * npl, 1, unroll=4)
        def _(j):
            slab[j // npl, pl.ds((j % npl) * _L, _L)] = zeros

        cp1.wait()
        cp2.wait()

        ones = jnp.ones((_L,), jnp.float32)
        lanes = lax.iota(jnp.int32, _L)

        for r0 in range(0, rows, _L):
            plsc.store_scatter(slab, [r0 + lanes, base + r0 + lanes], ones)

        @plsc.parallel_loop(0, e // _L, 1, unroll=8)
        def _(i):
            s = src_v[pl.ds(i * _L, _L)]
            d = dst_v[pl.ds(i * _L, _L)]
            r = d - base
            m = (r >= 0) & (r < rows)
            plsc.store_scatter(slab, [r, s], ones, mask=m)

        pltpu.sync_copy(slab, t_hbm.at[pl.ds(base, rows)])

    return sc_scatter(ei[0], ei[1])


def _tc_body(t_ref, x_ref, out_ref):
    d = x_ref.shape[1]

    xa = jnp.abs(x_ref[...])
    x2 = xa * xa
    xcat = jnp.concatenate([xa, x2, x2 * xa, x2 * x2], axis=1)
    xcat = xcat.astype(jnp.bfloat16)

    t1 = t_ref[...].astype(jnp.bfloat16)
    c2 = lax.dot_general(t1, t1, (((1,), (0,)), ((), ())),
                         preferred_element_type=jnp.float32)
    t2 = (c2 > 0.0).astype(jnp.bfloat16)
    c3 = lax.dot_general(t1, t2, (((1,), (0,)), ((), ())),
                         preferred_element_type=jnp.float32)
    t3 = (c3 > 0.0).astype(jnp.bfloat16)

    for k, t in enumerate((t1, t2, t3)):
        ok = lax.dot_general(t, xcat, (((1,), (0,)), ((), ())),
                             preferred_element_type=jnp.float32)
        for m in range(_M):
            out_ref[0, :, k, m, :] = ok[:, m * d:(m + 1) * d]


def _tc_compute(t, x2d, n, d):
    return pl.pallas_call(
        _tc_body,
        out_shape=jax.ShapeDtypeStruct((1, n, _K, _M, d), jnp.float32),
    )(t, x2d)


def kernel(x, edge_index):
    b, n, d = x.shape
    e = edge_index.shape[1]
    t = _build_adj_t(edge_index, n, e)
    outs = [_tc_compute(t, x[bi], n, d) for bi in range(b)]
    if b == 1:
        return outs[0]
    return jnp.concatenate(outs, axis=0)

# --- scband reference (transcript-rebuilt; emitter-appended) ---
"""Pipeline reference for scband-khop-sum-aggregator-9801115369800 (READ-ONLY COPY).

The authoritative reference and input builder live on the scoring server;
editing this copy changes nothing except your own understanding.
"""

import jax, jax.numpy as jnp
import numpy as np

K = 3
M = 4
N = 1024
B = 1
D = 128
E = 16384


def setup_inputs(seed: int = 0):
    key = jax.random.key(seed)
    k1, k2 = jax.random.split(key)
    x = jax.random.normal(k1, (B, N, D), dtype=jnp.float32)
    edge_index = jax.random.randint(k2, (2, E), 0, N, dtype=jnp.int32)
    return {"x": x, "edge_index": edge_index}


def reference(x, edge_index):
    # Faithful translation of KHopSumAggregator.forward.
    # Original: for every node i, take the k-hop subgraph subset (PyG
    # k_hop_subgraph, flow='source_to_target': nodes u with a directed path
    # u -> ... -> i of length <= k, including i itself), then for each moment
    # m in 1..M compute sum over the subset of |x|^m.
    # Vectorized: S[j, i] = 1 iff j is in the k-hop subset of node i.
    # S_0 = I; S_k = S_{k-1} OR (A @ S_{k-1}) where A[u, v] = 1 for edge u->v,
    # since (A s)[u] = sum_v A[u,v] s[v] adds sources of edges into the set.
    n = x.shape[1]
    src = edge_index[0]
    dst = edge_index[1]
    A = jnp.zeros((n, n), dtype=jnp.float32).at[src, dst].max(1.0)
    S = jnp.eye(n, dtype=jnp.float32)
    xa = jnp.abs(x)
    outs = []
    for k in range(K):
        S = jnp.clip(S + A @ S, 0.0, 1.0)
        per_m = []
        for m in range(1, M + 1):
            xm = xa ** m  # [B, N, D]
            # out[b, i, :] = sum_j S[j, i] * |x[b, j, :]|^m
            per_m.append(jnp.einsum('ji,bjd->bid', S, xm))
        outs.append(jnp.stack(per_m, axis=2))  # [B, N, M, D]
    return jnp.stack(outs, axis=2)  # [B, N, K, M, D]

if __name__ == "__main__":
    import jax
    _d = setup_inputs()
    print(jax.jit(kernel)(*tuple(_d.values())))

</pallas_src>

<mosaic_0001>
#map = affine_map<(d0, d1) -> (0)>
#map1 = affine_map<(d0, d1) -> (0, 0)>
module attributes {stable_mosaic.version = 14 : i64} {
  func.func @sc_scatter(%arg0: i32, %arg1: i32, %arg2: memref<16384xi32, #tpu.memory_space<hbm>>, %arg3: memref<16384xi32, #tpu.memory_space<hbm>>, %arg4: memref<1024x1024xf32, #tpu.memory_space<hbm>>, %arg5: memref<16384xi32, #tpu.memory_space<vmem>>, %arg6: memref<16384xi32, #tpu.memory_space<vmem>>, %arg7: memref<32x1024xf32, #tpu.memory_space<vmem>>, %arg8: memref<!tpu.dma_semaphore, #tpu.memory_space<semaphore_mem>>, %arg9: memref<!tpu.dma_semaphore, #tpu.memory_space<semaphore_mem>>) attributes {dimension_semantics = [#tpu.dimension_semantics<core_parallel>, #tpu.dimension_semantics<subcore_parallel>], iteration_bounds = array<i64: 2, 16>, scalar_prefetch = 0 : i64, scratch_operands = 5 : i64, tpu.core_type = #tpu.core_type<sc_vector_subcore>, window_params = [{transform_indices = #map}, {transform_indices = #map}, {transform_indices = #map1}]} {
    %mul3A = arith.constant 2 : i32
    %mul3A_0 = arith.muli %arg1, %mul3A : i32
    %add3A = arith.addi %mul3A_0, %arg0 : i32
    %mul3A_1 = arith.constant 32 : i32
    %mul3A_2 = arith.muli %add3A, %mul3A_1 : i32
    tpu.enqueue_dma source(%arg2 : memref<16384xi32, #tpu.memory_space<hbm>>) target(%arg5 : memref<16384xi32, #tpu.memory_space<vmem>>) target_semaphore(%arg8 : memref<!tpu.dma_semaphore, #tpu.memory_space<semaphore_mem>>)
    tpu.enqueue_dma source(%arg3 : memref<16384xi32, #tpu.memory_space<hbm>>) target(%arg6 : memref<16384xi32, #tpu.memory_space<vmem>>) target_semaphore(%arg9 : memref<!tpu.dma_semaphore, #tpu.memory_space<semaphore_mem>>)
    %broadcast_in_dim3A = arith.constant 0.000000e+00 : f32
    %broadcast_in_dim3A_3 = vector.broadcast %broadcast_in_dim3A : f32 to vector<16xf32>
    %parallel_loop3A = arith.constant 0 : i32
    %parallel_loop3A_4 = arith.constant 2048 : i32
    %parallel_loop3A_5 = arith.constant 1 : i32
    scf.for %parallel_loop3A_25 = %parallel_loop3A to %parallel_loop3A_4 step %parallel_loop3A_5  : i32 {
      %parallel_loop3A_26 = arith.constant 64 : i32
      %parallel_loop3A_27 = arith.divsi %parallel_loop3A_25, %parallel_loop3A_26 : i32
      %parallel_loop3A_28 = arith.constant 0 : i32
      %parallel_loop3A_29 = arith.cmpi sgt, %parallel_loop3A_25, %parallel_loop3A_28 : i32
      %parallel_loop3A_30 = arith.extui %parallel_loop3A_29 : i1 to i32
      %parallel_loop3A_31 = arith.constant 0 : i32
      %parallel_loop3A_32 = arith.cmpi slt, %parallel_loop3A_25, %parallel_loop3A_31 : i32
      %parallel_loop3A_33 = arith.extui %parallel_loop3A_32 : i1 to i32
      %parallel_loop3A_34 = arith.subi %parallel_loop3A_30, %parallel_loop3A_33 : i32
      %parallel_loop3A_35 = arith.constant 0 : i32
      %parallel_loop3A_36 = arith.cmpi sgt, %parallel_loop3A_26, %parallel_loop3A_35 : i32
      %parallel_loop3A_37 = arith.extui %parallel_loop3A_36 : i1 to i32
      %parallel_loop3A_38 = arith.constant 0 : i32
      %parallel_loop3A_39 = arith.cmpi slt, %parallel_loop3A_26, %parallel_loop3A_38 : i32
      %parallel_loop3A_40 = arith.extui %parallel_loop3A_39 : i1 to i32
      %parallel_loop3A_41 = arith.subi %parallel_loop3A_37, %parallel_loop3A_40 : i32
      %parallel_loop3A_42 = arith.cmpi ne, %parallel_loop3A_34, %parallel_loop3A_41 : i32
      %parallel_loop3A_43 = arith.remsi %parallel_loop3A_25, %parallel_loop3A_26 : i32
      %parallel_loop3A_44 = arith.constant 0 : i32
      %parallel_loop3A_45 = arith.cmpi ne, %parallel_loop3A_43, %parallel_loop3A_44 : i32
      %parallel_loop3A_46 = arith.andi %parallel_loop3A_42, %parallel_loop3A_45 : i1
      %parallel_loop3A_47 = arith.constant 1 : i32
      %parallel_loop3A_48 = arith.subi %parallel_loop3A_27, %parallel_loop3A_47 : i32
      %parallel_loop3A_49 = arith.select %parallel_loop3A_46, %parallel_loop3A_48, %parallel_loop3A_27 : i32
      %parallel_loop3A_50 = arith.constant 64 : i32
      %parallel_loop3A_51 = arith.constant 0 : i32
      %parallel_loop3A_52 = arith.cmpi eq, %parallel_loop3A_50, %parallel_loop3A_51 : i32
      %parallel_loop3A_53 = arith.constant 1 : i32
      %parallel_loop3A_54 = arith.select %parallel_loop3A_52, %parallel_loop3A_53, %parallel_loop3A_50 : i32
      %parallel_loop3A_55 = arith.remsi %parallel_loop3A_25, %parallel_loop3A_54 : i32
      %parallel_loop3A_56 = arith.constant 0 : i32
      %parallel_loop3A_57 = arith.cmpi ne, %parallel_loop3A_55, %parallel_loop3A_56 : i32
      %parallel_loop3A_58 = arith.constant 0 : i32
      %parallel_loop3A_59 = arith.cmpi slt, %parallel_loop3A_55, %parallel_loop3A_58 : i32
      %parallel_loop3A_60 = arith.constant 0 : i32
      %parallel_loop3A_61 = arith.cmpi slt, %parallel_loop3A_54, %parallel_loop3A_60 : i32
      %parallel_loop3A_62 = arith.xori %parallel_loop3A_59, %parallel_loop3A_61 : i1
      %parallel_loop3A_63 = arith.andi %parallel_loop3A_62, %parallel_loop3A_57 : i1
      %parallel_loop3A_64 = arith.addi %parallel_loop3A_55, %parallel_loop3A_54 : i32
      %parallel_loop3A_65 = arith.select %parallel_loop3A_63, %parallel_loop3A_64, %parallel_loop3A_55 : i32
      %parallel_loop3A_66 = arith.constant 16 : i32
      %parallel_loop3A_67 = arith.muli %parallel_loop3A_65, %parallel_loop3A_66 : i32
      %parallel_loop3A_68 = arith.index_cast %parallel_loop3A_49 : i32 to index
      %parallel_loop3A_69 = arith.index_cast %parallel_loop3A_67 : i32 to index
      %parallel_loop3A_70 = tpu.vector_load %arg7[%parallel_loop3A_68, %parallel_loop3A_69] {strides = array<i32>} : memref<32x1024xf32, #tpu.memory_space<vmem>>, vector<16xf32>,
      tpu.vector_store %arg7[%parallel_loop3A_68, %parallel_loop3A_69], %broadcast_in_dim3A_3 {strides = array<i32>} : memref<32x1024xf32, #tpu.memory_space<vmem>>, vector<16xf32>,
    } {sc.loop_unroll_factor = 4 : i64, sc.parallel_access}
    tpu.wait_dma2 semaphore(%arg8 : memref<!tpu.dma_semaphore, #tpu.memory_space<semaphore_mem>>) src(%arg2 : memref<16384xi32, #tpu.memory_space<hbm>>) dst(%arg5 : memref<16384xi32, #tpu.memory_space<vmem>>)
    tpu.wait_dma2 semaphore(%arg9 : memref<!tpu.dma_semaphore, #tpu.memory_space<semaphore_mem>>) src(%arg3 : memref<16384xi32, #tpu.memory_space<hbm>>) dst(%arg6 : memref<16384xi32, #tpu.memory_space<vmem>>)
    %broadcast_in_dim3A_6 = arith.constant 1.000000e+00 : f32
    %broadcast_in_dim3A_7 = vector.broadcast %broadcast_in_dim3A_6 : f32 to vector<16xf32>
    %iota3A = tpu.iota {dimensions = array<i32: 0>} : vector<16xi32>
    %add3A_8 = arith.constant 0 : i32
    %add3A_9 = vector.broadcast %add3A_8 : i32 to vector<16xi32>
    %add3A_10 = arith.addi %add3A_9, %iota3A : vector<16xi32>
    %add3A_11 = arith.constant 0 : i32
    %add3A_12 = arith.addi %mul3A_2, %add3A_11 : i32
    %add3A_13 = vector.broadcast %add3A_12 : i32 to vector<16xi32>
    %add3A_14 = arith.addi %add3A_13, %iota3A : vector<16xi32>
    tpu.vector_store_idx %arg7[%add3A_10, %add3A_14], %broadcast_in_dim3A_7 : memref<32x1024xf32, #tpu.memory_space<vmem>>[vector<16xi32>, vector<16xi32>], vector<16xf32>,
    %add3A_15 = arith.constant 16 : i32
    %add3A_16 = vector.broadcast %add3A_15 : i32 to vector<16xi32>
    %add3A_17 = arith.addi %add3A_16, %iota3A : vector<16xi32>
    %add3A_18 = arith.constant 16 : i32
    %add3A_19 = arith.addi %mul3A_2, %add3A_18 : i32
    %add3A_20 = vector.broadcast %add3A_19 : i32 to vector<16xi32>
    %add3A_21 = arith.addi %add3A_20, %iota3A : vector<16xi32>
    tpu.vector_store_idx %arg7[%add3A_17, %add3A_21], %broadcast_in_dim3A_7 : memref<32x1024xf32, #tpu.memory_space<vmem>>[vector<16xi32>, vector<16xi32>], vector<16xf32>,
    %parallel_loop3A_22 = arith.constant 0 : i32
    %parallel_loop3A_23 = arith.constant 1024 : i32
    %parallel_loop3A_24 = arith.constant 1 : i32
    scf.for %parallel_loop3A_25 = %parallel_loop3A_22 to %parallel_loop3A_23 step %parallel_loop3A_24  : i32 {
      %parallel_loop3A_26 = arith.constant 16 : i32
      %parallel_loop3A_27 = arith.muli %parallel_loop3A_25, %parallel_loop3A_26 : i32
      %parallel_loop3A_28 = arith.index_cast %parallel_loop3A_27 : i32 to index
      %parallel_loop3A_29 = tpu.vector_load %arg5[%parallel_loop3A_28] {strides = array<i32>} : memref<16384xi32, #tpu.memory_space<vmem>>, vector<16xi32>,
      %parallel_loop3A_30 = arith.constant 16 : i32
      %parallel_loop3A_31 = arith.muli %parallel_loop3A_25, %parallel_loop3A_30 : i32
      %parallel_loop3A_32 = arith.index_cast %parallel_loop3A_31 : i32 to index
      %parallel_loop3A_33 = tpu.vector_load %arg6[%parallel_loop3A_32] {strides = array<i32>} : memref<16384xi32, #tpu.memory_space<vmem>>, vector<16xi32>,
      %parallel_loop3A_34 = vector.broadcast %mul3A_2 : i32 to vector<16xi32>
      %parallel_loop3A_35 = arith.subi %parallel_loop3A_33, %parallel_loop3A_34 : vector<16xi32>
      %parallel_loop3A_36 = arith.constant 0 : i32
      %parallel_loop3A_37 = vector.broadcast %parallel_loop3A_36 : i32 to vector<16xi32>
      %parallel_loop3A_38 = arith.cmpi sge, %parallel_loop3A_35, %parallel_loop3A_37 : vector<16xi32>
      %parallel_loop3A_39 = arith.constant 32 : i32
      %parallel_loop3A_40 = vector.broadcast %parallel_loop3A_39 : i32 to vector<16xi32>
      %parallel_loop3A_41 = arith.cmpi slt, %parallel_loop3A_35, %parallel_loop3A_40 : vector<16xi32>
      %parallel_loop3A_42 = arith.andi %parallel_loop3A_38, %parallel_loop3A_41 : vector<16xi1>
      tpu.vector_store_idx %arg7[%parallel_loop3A_35, %parallel_loop3A_29], %broadcast_in_dim3A_7 masked %parallel_loop3A_42 : memref<32x1024xf32, #tpu.memory_space<vmem>>[vector<16xi32>, vector<16xi32>], vector<16xf32>, vector<16xi1>
    } {sc.loop_unroll_factor = 8 : i64, sc.parallel_access}
    "tpu.region"() ({
      %run_scoped3A = tpu.sem_alloc : memref<!tpu.dma_semaphore, #tpu.memory_space<semaphore_mem>>
      %dma_start3A = arith.constant 0 : i32
      %dma_start3A_25 = tpu.memref_slice %arg4[%mul3A_2, %dma_start3A] : memref<1024x1024xf32, #tpu.memory_space<hbm>> -> memref<32x1024xf32, #tpu.memory_space<hbm>>
      %dma_start3A_26 = arith.constant 0 : i32
      %dma_start3A_27 = tpu.memref_slice %arg4[%mul3A_2, %dma_start3A_26] : memref<1024x1024xf32, #tpu.memory_space<hbm>> -> memref<32x1024xf32, #tpu.memory_space<hbm>>
      tpu.enqueue_dma source(%arg7 : memref<32x1024xf32, #tpu.memory_space<vmem>>) target(%dma_start3A_27 : memref<32x1024xf32, #tpu.memory_space<hbm>>) target_semaphore(%run_scoped3A : memref<!tpu.dma_semaphore, #tpu.memory_space<semaphore_mem>>)
      %dma_wait3A = arith.constant 0 : i32
      %dma_wait3A_28 = tpu.memref_slice %arg4[%mul3A_2, %dma_wait3A] : memref<1024x1024xf32, #tpu.memory_space<hbm>> -> memref<32x1024xf32, #tpu.memory_space<hbm>>
      %dma_wait3A_29 = arith.constant 0 : i32
      %dma_wait3A_30 = tpu.memref_slice %arg4[%mul3A_2, %dma_wait3A_29] : memref<1024x1024xf32, #tpu.memory_space<hbm>> -> memref<32x1024xf32, #tpu.memory_space<hbm>>
      tpu.wait_dma2 semaphore(%run_scoped3A : memref<!tpu.dma_semaphore, #tpu.memory_space<semaphore_mem>>) src(%arg7 : memref<32x1024xf32, #tpu.memory_space<vmem>>) dst(%dma_wait3A_30 : memref<32x1024xf32, #tpu.memory_space<hbm>>)
      tpu.yield
    }) : () -> ()
    return
  }
}

module attributes {stable_mosaic.version = 14 : i64} {
  func.func @_tc_body(%arg0: memref<1024x1024xf32, #tpu.memory_space<vmem>>, %arg1: memref<1024x128xf32, #tpu.memory_space<vmem>>, %arg2: memref<1x1024x3x4x128xf32, #tpu.memory_space<vmem>>) attributes {dimension_semantics = [], scalar_prefetch = 0 : i64, scratch_operands = 0 : i64, tpu.core_type = #tpu.core_type<tc>} {
    %get3A = arith.constant 0 : index
    %get3A_0 = arith.constant 0 : index
    %get3A_1 = vector.load %arg1[%get3A, %get3A_0] : memref<1024x128xf32, #tpu.memory_space<vmem>>, vector<1024x128xf32>
    %abs3A = math.absf %get3A_1 : vector<1024x128xf32>
    %mul3A = arith.mulf %abs3A, %abs3A : vector<1024x128xf32>
    %mul3A_2 = arith.mulf %mul3A, %abs3A : vector<1024x128xf32>
    %mul3A_3 = arith.mulf %mul3A, %mul3A : vector<1024x128xf32>
    %concatenate3A = tpu.concatenate %abs3A, %mul3A, %mul3A_2, %mul3A_3 in 1 : vector<1024x128xf32>, vector<1024x128xf32>, vector<1024x128xf32>, vector<1024x128xf32> -> vector<1024x512xf32>
    %convert_element_type3A = arith.truncf %concatenate3A : vector<1024x512xf32> to vector<1024x512xbf16>
    %get3A_4 = arith.constant 0 : index
    %get3A_5 = arith.constant 0 : index
    %get3A_6 = vector.load %arg0[%get3A_4, %get3A_5] : memref<1024x1024xf32, #tpu.memory_space<vmem>>, vector<1024x1024xf32>
    %convert_element_type3A_7 = arith.truncf %get3A_6 : vector<1024x1024xf32> to vector<1024x1024xbf16>
    %dot_general3A = arith.constant dense<0.000000e+00> : vector<1024x1024xf32>
    %dot_general3A_8 = tpu.matmul %convert_element_type3A_7, %convert_element_type3A_7, %dot_general3A {dimension_numbers = #tpu.dot_dimension_numbers<[1], [0], [0], [1], [0, 0, 1, 1], [], []>, transpose_lhs_hint = false} : vector<1024x1024xbf16>, vector<1024x1024xbf16>, vector<1024x1024xf32> -> vector<1024x1024xf32>
    %gt3A = arith.constant 0.000000e+00 : f32
    %gt3A_9 = vector.broadcast %gt3A : f32 to vector<1024x1024xf32>
    %gt3A_10 = arith.cmpf ogt, %dot_general3A_8, %gt3A_9 : vector<1024x1024xf32>
    %convert_element_type3A_11 = arith.extui %gt3A_10 : vector<1024x1024xi1> to vector<1024x1024xi32>
    %convert_element_type3A_12 = arith.sitofp %convert_element_type3A_11 : vector<1024x1024xi32> to vector<1024x1024xf32>
    %convert_element_type3A_13 = arith.truncf %convert_element_type3A_12 : vector<1024x1024xf32> to vector<1024x1024xbf16>
    %dot_general3A_14 = arith.constant dense<0.000000e+00> : vector<1024x1024xf32>
    %dot_general3A_15 = tpu.matmul %convert_element_type3A_7, %convert_element_type3A_13, %dot_general3A_14 {dimension_numbers = #tpu.dot_dimension_numbers<[1], [0], [0], [1], [0, 0, 1, 1], [], []>, transpose_lhs_hint = false} : vector<1024x1024xbf16>, vector<1024x1024xbf16>, vector<1024x1024xf32> -> vector<1024x1024xf32>
    %gt3A_16 = arith.constant 0.000000e+00 : f32
    %gt3A_17 = vector.broadcast %gt3A_16 : f32 to vector<1024x1024xf32>
    %gt3A_18 = arith.cmpf ogt, %dot_general3A_15, %gt3A_17 : vector<1024x1024xf32>
    %convert_element_type3A_19 = arith.extui %gt3A_18 : vector<1024x1024xi1> to vector<1024x1024xi32>
    %convert_element_type3A_20 = arith.sitofp %convert_element_type3A_19 : vector<1024x1024xi32> to vector<1024x1024xf32>
    %convert_element_type3A_21 = arith.truncf %convert_element_type3A_20 : vector<1024x1024xf32> to vector<1024x1024xbf16>
    %dot_general3A_22 = arith.constant dense<0.000000e+00> : vector<1024x512xf32>
    %dot_general3A_23 = tpu.matmul %convert_element_type3A_7, %convert_element_type3A, %dot_general3A_22 {dimension_numbers = #tpu.dot_dimension_numbers<[1], [0], [0], [1], [0, 0, 1, 1], [], []>, transpose_lhs_hint = false} : vector<1024x1024xbf16>, vector<1024x512xbf16>, vector<1024x512xf32> -> vector<1024x512xf32>
    %slice3A = vector.extract_strided_slice %dot_general3A_23 {offsets = [0, 0], sizes = [1024, 128], strides = [1, 1]} : vector<1024x512xf32> to vector<1024x128xf32>
    %swap3A = arith.constant 0 : index
    %swap3A_24 = arith.constant 0 : index
    %swap3A_25 = arith.constant 0 : index
    %swap3A_26 = arith.constant 0 : index
    %swap3A_27 = arith.constant 0 : index
    %swap3A_28 = vector.load %arg2[%swap3A, %swap3A_24, %swap3A_25, %swap3A_26, %swap3A_27] : memref<1x1024x3x4x128xf32, #tpu.memory_space<vmem>>, vector<1x1024x1x1x128xf32>
    %swap3A_29 = vector.shape_cast %swap3A_28 : vector<1x1024x1x1x128xf32> to vector<1024x128xf32>
    %swap3A_30 = vector.shape_cast %slice3A : vector<1024x128xf32> to vector<1x1024x1x1x128xf32>
    tpu.vector_store %arg2[%swap3A, %swap3A_24, %swap3A_25, %swap3A_26, %swap3A_27], %swap3A_30 {strides = array<i32>} : memref<1x1024x3x4x128xf32, #tpu.memory_space<vmem>>, vector<1x1024x1x1x128xf32>,
    %slice3A_31 = vector.extract_strided_slice %dot_general3A_23 {offsets = [0, 128], sizes = [1024, 128], strides = [1, 1]} : vector<1024x512xf32> to vector<1024x128xf32>
    %swap3A_32 = arith.constant 0 : index
    %swap3A_33 = arith.constant 0 : index
    %swap3A_34 = arith.constant 0 : index
    %swap3A_35 = arith.constant 1 : index
    %swap3A_36 = arith.constant 0 : index
    %swap3A_37 = vector.load %arg2[%swap3A_32, %swap3A_33, %swap3A_34, %swap3A_35, %swap3A_36] : memref<1x1024x3x4x128xf32, #tpu.memory_space<vmem>>, vector<1x1024x1x1x128xf32>
    %swap3A_38 = vector.shape_cast %swap3A_37 : vector<1x1024x1x1x128xf32> to vector<1024x128xf32>
    %swap3A_39 = vector.shape_cast %slice3A_31 : vector<1024x128xf32> to vector<1x1024x1x1x128xf32>
    tpu.vector_store %arg2[%swap3A_32, %swap3A_33, %swap3A_34, %swap3A_35, %swap3A_36], %swap3A_39 {strides = array<i32>} : memref<1x1024x3x4x128xf32, #tpu.memory_space<vmem>>, vector<1x1024x1x1x128xf32>,
    %slice3A_40 = vector.extract_strided_slice %dot_general3A_23 {offsets = [0, 256], sizes = [1024, 128], strides = [1, 1]} : vector<1024x512xf32> to vector<1024x128xf32>
    %swap3A_41 = arith.constant 0 : index
    %swap3A_42 = arith.constant 0 : index
    %swap3A_43 = arith.constant 0 : index
    %swap3A_44 = arith.constant 2 : index
    %swap3A_45 = arith.constant 0 : index
    %swap3A_46 = vector.load %arg2[%swap3A_41, %swap3A_42, %swap3A_43, %swap3A_44, %swap3A_45] : memref<1x1024x3x4x128xf32, #tpu.memory_space<vmem>>, vector<1x1024x1x1x128xf32>
    %swap3A_47 = vector.shape_cast %swap3A_46 : vector<1x1024x1x1x128xf32> to vector<1024x128xf32>
    %swap3A_48 = vector.shape_cast %slice3A_40 : vector<1024x128xf32> to vector<1x1024x1x1x128xf32>
    tpu.vector_store %arg2[%swap3A_41, %swap3A_42, %swap3A_43, %swap3A_44, %swap3A_45], %swap3A_48 {strides = array<i32>} : memref<1x1024x3x4x128xf32, #tpu.memory_space<vmem>>, vector<1x1024x1x1x128xf32>,
    %slice3A_49 = vector.extract_strided_slice %dot_general3A_23 {offsets = [0, 384], sizes = [1024, 128], strides = [1, 1]} : vector<1024x512xf32> to vector<1024x128xf32>
    %swap3A_50 = arith.constant 0 : index
    %swap3A_51 = arith.constant 0 : index
    %swap3A_52 = arith.constant 0 : index
    %swap3A_53 = arith.constant 3 : index
    %swap3A_54 = arith.constant 0 : index
    %swap3A_55 = vector.load %arg2[%swap3A_50, %swap3A_51, %swap3A_52, %swap3A_53, %swap3A_54] : memref<1x1024x3x4x128xf32, #tpu.memory_space<vmem>>, vector<1x1024x1x1x128xf32>
    %swap3A_56 = vector.shape_cast %swap3A_55 : vector<1x1024x1x1x128xf32> to vector<1024x128xf32>
    %swap3A_57 = vector.shape_cast %slice3A_49 : vector<1024x128xf32> to vector<1x1024x1x1x128xf32>
    tpu.vector_store %arg2[%swap3A_50, %swap3A_51, %swap3A_52, %swap3A_53, %swap3A_54], %swap3A_57 {strides = array<i32>} : memref<1x1024x3x4x128xf32, #tpu.memory_space<vmem>>, vector<1x1024x1x1x128xf32>,
    %dot_general3A_58 = arith.constant dense<0.000000e+00> : vector<1024x512xf32>
    %dot_general3A_59 = tpu.matmul %convert_element_type3A_13, %convert_element_type3A, %dot_general3A_58 {dimension_numbers = #tpu.dot_dimension_numbers<[1], [0], [0], [1], [0, 0, 1, 1], [], []>, transpose_lhs_hint = false} : vector<1024x1024xbf16>, vector<1024x512xbf16>, vector<1024x512xf32> -> vector<1024x512xf32>
    %slice3A_60 = vector.extract_strided_slice %dot_general3A_59 {offsets = [0, 0], sizes = [1024, 128], strides = [1, 1]} : vector<1024x512xf32> to vector<1024x128xf32>
    %swap3A_61 = arith.constant 0 : index
    %swap3A_62 = arith.constant 0 : index
    %swap3A_63 = arith.constant 1 : index
    %swap3A_64 = arith.constant 0 : index
    %swap3A_65 = arith.constant 0 : index
    %swap3A_66 = vector.load %arg2[%swap3A_61, %swap3A_62, %swap3A_63, %swap3A_64, %swap3A_65] : memref<1x1024x3x4x128xf32, #tpu.memory_space<vmem>>, vector<1x1024x1x1x128xf32>
    %swap3A_67 = vector.shape_cast %swap3A_66 : vector<1x1024x1x1x128xf32> to vector<1024x128xf32>
    %swap3A_68 = vector.shape_cast %slice3A_60 : vector<1024x128xf32> to vector<1x1024x1x1x128xf32>
    tpu.vector_store %arg2[%swap3A_61, %swap3A_62, %swap3A_63, %swap3A_64, %swap3A_65], %swap3A_68 {strides = array<i32>} : memref<1x1024x3x4x128xf32, #tpu.memory_space<vmem>>, vector<1x1024x1x1x128xf32>,
    %slice3A_69 = vector.extract_strided_slice %dot_general3A_59 {offsets = [0, 128], sizes = [1024, 128], strides = [1, 1]} : vector<1024x512xf32> to vector<1024x128xf32>
    %swap3A_70 = arith.constant 0 : index
    %swap3A_71 = arith.constant 0 : index
    %swap3A_72 = arith.constant 1 : index
    %swap3A_73 = arith.constant 1 : index
    %swap3A_74 = arith.constant 0 : index
    %swap3A_75 = vector.load %arg2[%swap3A_70, %swap3A_71, %swap3A_72, %swap3A_73, %swap3A_74] : memref<1x1024x3x4x128xf32, #tpu.memory_space<vmem>>, vector<1x1024x1x1x128xf32>
    %swap3A_76 = vector.shape_cast %swap3A_75 : vector<1x1024x1x1x128xf32> to vector<1024x128xf32>
    %swap3A_77 = vector.shape_cast %slice3A_69 : vector<1024x128xf32> to vector<1x1024x1x1x128xf32>
    tpu.vector_store %arg2[%swap3A_70, %swap3A_71, %swap3A_72, %swap3A_73, %swap3A_74], %swap3A_77 {strides = array<i32>} : memref<1x1024x3x4x128xf32, #tpu.memory_space<vmem>>, vector<1x1024x1x1x128xf32>,
    %slice3A_78 = vector.extract_strided_slice %dot_general3A_59 {offsets = [0, 256], sizes = [1024, 128], strides = [1, 1]} : vector<1024x512xf32> to vector<1024x128xf32>
    %swap3A_79 = arith.constant 0 : index
    %swap3A_80 = arith.constant 0 : index
    %swap3A_81 = arith.constant 1 : index
    %swap3A_82 = arith.constant 2 : index
    %swap3A_83 = arith.constant 0 : index
    %swap3A_84 = vector.load %arg2[%swap3A_79, %swap3A_80, %swap3A_81, %swap3A_82, %swap3A_83] : memref<1x1024x3x4x128xf32, #tpu.memory_space<vmem>>, vector<1x1024x1x1x128xf32>
    %swap3A_85 = vector.shape_cast %swap3A_84 : vector<1x1024x1x1x128xf32> to vector<1024x128xf32>
    %swap3A_86 = vector.shape_cast %slice3A_78 : vector<1024x128xf32> to vector<1x1024x1x1x128xf32>
    tpu.vector_store %arg2[%swap3A_79, %swap3A_80, %swap3A_81, %swap3A_82, %swap3A_83], %swap3A_86 {strides = array<i32>} : memref<1x1024x3x4x128xf32, #tpu.memory_space<vmem>>, vector<1x1024x1x1x128xf32>,
    %slice3A_87 = vector.extract_strided_slice %dot_general3A_59 {offsets = [0, 384], sizes = [1024, 128], strides = [1, 1]} : vector<1024x512xf32> to vector<1024x128xf32>
    %swap3A_88 = arith.constant 0 : index
    %swap3A_89 = arith.constant 0 : index
    %swap3A_90 = arith.constant 1 : index
    %swap3A_91 = arith.constant 3 : index
    %swap3A_92 = arith.constant 0 : index
    %swap3A_93 = vector.load %arg2[%swap3A_88, %swap3A_89, %swap3A_90, %swap3A_91, %swap3A_92] : memref<1x1024x3x4x128xf32, #tpu.memory_space<vmem>>, vector<1x1024x1x1x128xf32>
    %swap3A_94 = vector.shape_cast %swap3A_93 : vector<1x1024x1x1x128xf32> to vector<1024x128xf32>
    %swap3A_95 = vector.shape_cast %slice3A_87 : vector<1024x128xf32> to vector<1x1024x1x1x128xf32>
    tpu.vector_store %arg2[%swap3A_88, %swap3A_89, %swap3A_90, %swap3A_91, %swap3A_92], %swap3A_95 {strides = array<i32>} : memref<1x1024x3x4x128xf32, #tpu.memory_space<vmem>>, vector<1x1024x1x1x128xf32>,
    %dot_general3A_96 = arith.constant dense<0.000000e+00> : vector<1024x512xf32>
    %dot_general3A_97 = tpu.matmul %convert_element_type3A_21, %convert_element_type3A, %dot_general3A_96 {dimension_numbers = #tpu.dot_dimension_numbers<[1], [0], [0], [1], [0, 0, 1, 1], [], []>, transpose_lhs_hint = false} : vector<1024x1024xbf16>, vector<1024x512xbf16>, vector<1024x512xf32> -> vector<1024x512xf32>
    %slice3A_98 = vector.extract_strided_slice %dot_general3A_97 {offsets = [0, 0], sizes = [1024, 128], strides = [1, 1]} : vector<1024x512xf32> to vector<1024x128xf32>
    %swap3A_99 = arith.constant 0 : index
    %swap3A_100 = arith.constant 0 : index
    %swap3A_101 = arith.constant 2 : index
    %swap3A_102 = arith.constant 0 : index
    %swap3A_103 = arith.constant 0 : index
    %swap3A_104 = vector.load %arg2[%swap3A_99, %swap3A_100, %swap3A_101, %swap3A_102, %swap3A_103] : memref<1x1024x3x4x128xf32, #tpu.memory_space<vmem>>, vector<1x1024x1x1x128xf32>
    %swap3A_105 = vector.shape_cast %swap3A_104 : vector<1x1024x1x1x128xf32> to vector<1024x128xf32>
    %swap3A_106 = vector.shape_cast %slice3A_98 : vector<1024x128xf32> to vector<1x1024x1x1x128xf32>
    tpu.vector_store %arg2[%swap3A_99, %swap3A_100, %swap3A_101, %swap3A_102, %swap3A_103], %swap3A_106 {strides = array<i32>} : memref<1x1024x3x4x128xf32, #tpu.memory_space<vmem>>, vector<1x1024x1x1x128xf32>,
    %slice3A_107 = vector.extract_strided_slice %dot_general3A_97 {offsets = [0, 128], sizes = [1024, 128], strides = [1, 1]} : vector<1024x512xf32> to vector<1024x128xf32>
    %swap3A_108 = arith.constant 0 : index
    %swap3A_109 = arith.constant 0 : index
    %swap3A_110 = arith.constant 2 : index
    %swap3A_111 = arith.constant 1 : index
    %swap3A_112 = arith.constant 0 : index
    %swap3A_113 = vector.load %arg2[%swap3A_108, %swap3A_109, %swap3A_110, %swap3A_111, %swap3A_112] : memref<1x1024x3x4x128xf32, #tpu.memory_space<vmem>>, vector<1x1024x1x1x128xf32>
    %swap3A_114 = vector.shape_cast %swap3A_113 : vector<1x1024x1x1x128xf32> to vector<1024x128xf32>
    %swap3A_115 = vector.shape_cast %slice3A_107 : vector<1024x128xf32> to vector<1x1024x1x1x128xf32>
    tpu.vector_store %arg2[%swap3A_108, %swap3A_109, %swap3A_110, %swap3A_111, %swap3A_112], %swap3A_115 {strides = array<i32>} : memref<1x1024x3x4x128xf32, #tpu.memory_space<vmem>>, vector<1x1024x1x1x128xf32>,
    %slice3A_116 = vector.extract_strided_slice %dot_general3A_97 {offsets = [0, 256], sizes = [1024, 128], strides = [1, 1]} : vector<1024x512xf32> to vector<1024x128xf32>
    %swap3A_117 = arith.constant 0 : index
    %swap3A_118 = arith.constant 0 : index
    %swap3A_119 = arith.constant 2 : index
    %swap3A_120 = arith.constant 2 : index
    %swap3A_121 = arith.constant 0 : index
    %swap3A_122 = vector.load %arg2[%swap3A_117, %swap3A_118, %swap3A_119, %swap3A_120, %swap3A_121] : memref<1x1024x3x4x128xf32, #tpu.memory_space<vmem>>, vector<1x1024x1x1x128xf32>
    %swap3A_123 = vector.shape_cast %swap3A_122 : vector<1x1024x1x1x128xf32> to vector<1024x128xf32>
    %swap3A_124 = vector.shape_cast %slice3A_116 : vector<1024x128xf32> to vector<1x1024x1x1x128xf32>
    tpu.vector_store %arg2[%swap3A_117, %swap3A_118, %swap3A_119, %swap3A_120, %swap3A_121], %swap3A_124 {strides = array<i32>} : memref<1x1024x3x4x128xf32, #tpu.memory_space<vmem>>, vector<1x1024x1x1x128xf32>,
    %slice3A_125 = vector.extract_strided_slice %dot_general3A_97 {offsets = [0, 384], sizes = [1024, 128], strides = [1, 1]} : vector<1024x512xf32> to vector<1024x128xf32>
    %swap3A_126 = arith.constant 0 : index
    %swap3A_127 = arith.constant 0 : index
    %swap3A_128 = arith.constant 2 : index
    %swap3A_129 = arith.constant 3 : index
    %swap3A_130 = arith.constant 0 : index
    %swap3A_131 = vector.load %arg2[%swap3A_126, %swap3A_127, %swap3A_128, %swap3A_129, %swap3A_130] : memref<1x1024x3x4x128xf32, #tpu.memory_space<vmem>>, vector<1x1024x1x1x128xf32>
    %swap3A_132 = vector.shape_cast %swap3A_131 : vector<1x1024x1x1x128xf32> to vector<1024x128xf32>
    %swap3A_133 = vector.shape_cast %slice3A_125 : vector<1024x128xf32> to vector<1x1024x1x1x128xf32>
    tpu.vector_store %arg2[%swap3A_126, %swap3A_127, %swap3A_128, %swap3A_129, %swap3A_130], %swap3A_133 {strides = array<i32>} : memref<1x1024x3x4x128xf32, #tpu.memory_space<vmem>>, vector<1x1024x1x1x128xf32>,
    return
  }
}

</mosaic_0001>

<sc_bundles>
// kernel: kernel.4.cloned.1.call-start
scs
__scs_entry_jumppad:
0x0: {  	(pc) =	sbr.rel $0x88, $3  }
0x1: {  	(tag) =	ssettag $0x0;
	lr =	simm.s32 $0x1  }
0x2: {  	[smem:$0x3F9F] =	sst lr;
	_ =	strace $0xD0000000  }
0x3: {  	_ = 	snop  }
0x4: {  	_ = 	snop  }
0x5: {  	_ = 	snop  }
0x6: {  	_ = 	snop  }
0x7: {  	_ = 	snop  }
__scs_overlays_trampoline_lowered:
0x8: {  	[smem:$0x3FAE] =	sst s0  }
0x9: {  	[smem:$0x3FAF] =	sst s1  }
0xa: {  	[smem:$0x3FB0] =	sst s2  }
0xb: {  	[smem:$0x3FB1] =	sst s3  }
0xc: {  	[smem:$0x3FB2] =	sst s4  }
0xd: {  	[smem:$0x3FB3] =	sst s5  }
0xe: {  	[smem:$0x3FB4] =	sst s6  }
0xf: {  	[smem:$0x3FB5] =	sst s7  }
0x10: {  	[smem:$0x3FB6] =	sst s8  }
0x11: {  	[smem:$0x3FB7] =	sst s9;
	s0 =	simm.s32 @!p0 $0x0  }
0x12: {  	s1 =	sld [smem:$0x3F9D];
	s0 =	simm.s32 @p0 $0x1  }
0x13: {  	[smem:$0x3FB8] =	sst s0;
	s0 =	simm.s32 @!p1 $0x0  }
0x14: {  	s2 =	sld [smem:$0x3F9C];
	s0 =	simm.s32 @p1 $0x1  }
0x15: {  	[smem:$0x3FB9] =	sst s0;
	s0 =	simm.s32 @!p2 $0x0  }
0x16: {  	s3 =	sld [smem:$0x3FDB];
	s0 =	simm.s32 @p2 $0x1  }
0x17: {  	s4 =	simm.s32 $0x1BF5;
	[smem:$0x3FBB] =	sst s0  }
0x18: {  	s0 =	sld [smem:$0x3F9E];
	_ =	swait.ge [sflag:s4], $0x0  }
0x19: {  	s7 =	sld [smem:$0x3F9F]  }
0x1a: {  	s8 =	sadd.s32 $0xFFFFE003, lr  }
0x1b: {  	s9 =	sadd.s32 $0xFFFFFEF7, lr;
	s5 =	simm.s32 $0xFFFFFFFF;
	p2 =	slt.u32 s8, $0xFFFFF086  }
0x1c: {  	p1 =	slt.u32 s9, $0xF7A;
	s5 =	simm.s32 @!p2 $0x0  }
0x1d: {  	s5 =	simm.s32 @p1 $0x1;
	p0 =	seq.s32 s7, s2  }
0x1e: {  	s7 =	smul.u32 @!p0 $0xF7A, s2;
	p2 =	seq.s32 @!p0 s5, $0x0  }
0x1f: {  	s9 =	smul.u32 $0xF7A, s1;
	s8 =	simm.s32 @!p0 $0x1BF5;
	p2 =	por !p2, p0  }
0x20: {  	[sflag:s8] =	ssyncset.s32 @!p0 $0xFFFFF086;
	s6 =	sadd.s32 @!p0 s3, s7;
	s7 =	simm.s32 @!p0 $0x108  }
0x21: {  	s3 =	sadd.s32 s3, s9;
	s6 =	sadd.s32 @!p0 $0x88, s6;
	s7 =	simm.s32 @p2 $0x1082  }
0x22: {  	[simem:s7], [sflag:s8] =	dma.local @!p0 [hbm:s6], $0xF7A  }
0x23: {  	s9 =	sor.u32 $0xD0000000, s2;
	s6 =	simm.s32 $0x108;
	_ =	swait.ge @!p0 [sflag:s8], $0x0  }
0x24: {  	s3 =	sadd.s32 $0x88, s3;
	s6 =	simm.s32 @!p1 $0x1082;
	[sflag:s4] =	ssyncset.s32 $0xFFFFF086  }
0x25: {  	[simem:s6], [sflag:s4] =	dma.local [hbm:s3], $0xF7A  }
0x26: {  	[smem:$0x3F9F] =	sst s1;
	(tag) =	ssettag s2;
	_ =	strace s9  }
0x27: {  	s1 =	sld [smem:$0x3FAF]  }
0x28: {  	s2 =	sld [smem:$0x3FB0]  }
0x29: {  	s4 =	sld [smem:$0x3FB2]  }
0x2a: {  	p0 =	seq.s32 s5, $0x0;
	s5 =	sld [smem:$0x3FB3]  }
0x2b: {  	s6 =	sld [smem:$0x3FB4]  }
0x2c: {  	s7 =	sld [smem:$0x3FB5]  }
0x2d: {  	s3 =	simm.s32 $0x108;
	s8 =	sld [smem:$0x3FB6]  }
0x2e: {  	s3 =	simm.s32 @!p0 $0x1082;
	s9 =	sld [smem:$0x3FB7]  }
0x2f: {  	lr =	sadd.s32 s0, s3;
	s0 =	sld [smem:$0x3FAE]  }
0x30: {  	s3 =	sld [smem:$0x3FB1]  }
0x31: {  	[smem:$0x3FBA] =	sst s10  }
0x32: {  	s10 =	sld [smem:$0x3FB8];
	_ =	sdelay $0x3  }
0x33: {  	p0 =	seq.s32 s10, $0x1;
	s10 =	sld [smem:$0x3FBA];
	_ =	sdelay $0x3  }
0x34: {  	[smem:$0x3FBA] =	sst s10  }
0x35: {  	s10 =	sld [smem:$0x3FB9];
	_ =	sdelay $0x3  }
0x36: {  	p1 =	seq.s32 s10, $0x1;
	s10 =	sld [smem:$0x3FBA];
	_ =	sdelay $0x3  }
0x37: {  	[smem:$0x3FBA] =	sst s10  }
0x38: {  	s10 =	sld [smem:$0x3FBB]  }
0x39: {  	_ = 	snop;
	(pc) =	sbr.ind lr, $3  }
0x3a: {  	_ = 	snop  }
0x3b: {  	_ = 	snop  }
0x3c: {  	p2 =	seq.s32 s10, $0x1;
	s10 =	sld [smem:$0x3FBA]  }
0x3d: {  	_ =	shalt  }
0x3e: {  	_ =	shalt  }
0x3f: {  	_ =	shalt  }
0x40: {  	_ =	shalt  }
0x41: {  	_ =	shalt  }
0x42: {  	_ =	shalt  }
0x43: {  	_ =	shalt  }
0x44: {  	_ =	shalt  }
0x45: {  	_ =	shalt  }
0x46: {  	_ =	shalt  }
0x47: {  	_ =	shalt  }
0x48: {  	_ =	shalt  }
0x49: {  	_ =	shalt  }
0x4a: {  	_ =	shalt  }
0x4b: {  	_ =	shalt  }
0x4c: {  	_ =	shalt  }
0x4d: {  	_ =	shalt  }
0x4e: {  	_ =	shalt  }
0x4f: {  	_ =	shalt  }
0x50: {  	_ =	shalt  }
0x51: {  	_ =	shalt  }
0x52: {  	_ =	shalt  }
0x53: {  	_ =	shalt  }
0x54: {  	_ =	shalt  }
0x55: {  	_ =	shalt  }
0x56: {  	_ =	shalt  }
0x57: {  	_ =	shalt  }
0x58: {  	_ =	shalt  }
0x59: {  	_ =	shalt  }
0x5a: {  	_ =	shalt  }
0x5b: {  	_ =	shalt  }
0x5c: {  	_ =	shalt  }
0x5d: {  	_ =	shalt  }
0x5e: {  	_ =	shalt  }
0x5f: {  	_ =	shalt  }
0x60: {  	_ =	shalt  }
0x61: {  	_ =	shalt  }
0x62: {  	_ =	shalt  }
0x63: {  	_ =	shalt  }
0x64: {  	_ =	shalt  }
0x65: {  	_ =	shalt  }
0x66: {  	_ =	shalt  }
0x67: {  	_ =	shalt  }
0x68: {  	_ =	shalt  }
0x69: {  	_ =	shalt  }
0x6a: {  	_ =	shalt  }
0x6b: {  	_ =	shalt  }
0x6c: {  	_ =	shalt  }
0x6d: {  	_ =	shalt  }
0x6e: {  	_ =	shalt  }
0x6f: {  	_ =	shalt  }
0x70: {  	_ =	shalt  }
0x71: {  	_ =	shalt  }
0x72: {  	_ =	shalt  }
0x73: {  	_ =	shalt  }
0x74: {  	_ =	shalt  }
0x75: {  	_ =	shalt  }
0x76: {  	_ =	shalt  }
0x77: {  	_ =	shalt  }
0x78: {  	_ =	shalt  }
0x79: {  	_ =	shalt  }
0x7a: {  	_ =	shalt  }
0x7b: {  	_ =	shalt  }
0x7c: {  	_ =	shalt  }
0x7d: {  	_ =	shalt  }
0x7e: {  	_ =	shalt  }
0x7f: {  	_ =	shalt  }
0x80: {  	_ =	shalt  }
0x81: {  	_ =	shalt  }
0x82: {  	_ =	shalt  }
0x83: {  	_ =	shalt  }
0x84: {  	_ =	shalt  }
0x85: {  	_ =	shalt  }
0x86: {  	_ =	shalt  }
0x87: {  	_ =	shalt  }
.Lfunc_end0:
.L_simem_size_0:
called_computation_lowered:
.L_overlay_start_0:
0x88: {  	s2 =	sld [smem:$0x3FD9]  }
0x89: {  	s3 =	sld [smem:$0x3FFE];
	_ =	sdelay $0x1  }
0x8a: {  	s1 =	srdreg.scid  }
0x8b: {  	s0 =	sand.u32 $0x1, s1  }
0x8c: {  	s17 =	sshll.u32 s0, $0xA;
	s2 =	sadd.s32 s3, s2  }
0x8d: {  	s2 =	sadd.s32 s2, s17  }
0x8e: {  	[smem:$0x3FC6] =	sst s2  }
0x8f: {  	_ = 	snop  }
0x90: {  	s2 =	sld [smem:$0x3FD0];
	(tm) =	ssettm $0x1  }
0x91: {  	s18 =	sld [smem:$0x3FFB];
	_ =	sdelay $0x3  }
0x92: {  	_ =	strace s18  }
0x93: {  	s3 =	sld [smem:$0x3FFC];
	_ =	sdelay $0x3  }
0x94: {  	_ =	strace s3  }
0x95: {  	s3 =	sld [smem:$0x3FFD];
	_ =	sdelay $0x3  }
0x96: {  	_ =	strace s3  }
0x97: {  	_ =	strace $0x8FFFFFFF  }
0x98: {  	s19 =	sld [smem:$0x3FDB];
	_ =	sdelay $0x1  }
0x99: {  	s4 =	simm.s32 $_scs_section_size  }
0x9a: {  	s5 =	simm.s32 $_size__tile_overlayer_lowered;
	s6 =	simm.s32 $_tile_overlayer_lowered  }
0x9b: {  	s22 =	simm.s32 $0x1BFF;
	s21 =	sshll.u32 s6, $0x1;
	s3 =	sadd.s32 s4, s19  }
0x9c: {  	s7 =	simm.s32 $0x0;
	s20 =	sshll.u32 s5, $0x1;
	s5 =	sadd.s32 s21, s3  }
0x9d: {  	[timem:s7], [sflag:s22] =	dma.local [hbm:s5], s20  }
0x9e: {  	_ =	swait.ge [sflag:s22], s20  }
0x9f: {  	s4 =	ssub.s32 $0x0, s20;
	[sflag:s22] =	ssyncset.done $0x0  }
0xa0: {  	[sflag:s22] =	ssyncadd.s32 s4;
	_ =	sdelay $0x1  }
0xa1: {  	s23 =	simm.s32 $0x1B8B  }
0xa2: {  	_ =	swait.ge [sflag:s23], $0x1  }
0xa3: {  	[sflag:s23] =	ssyncset.done $0x0  }
0xa4: {  	s25 =	simm.s32 $0x1B8E;
	s24 =	sld [smem:$0x3FFE];
	[sflag:s23] =	ssyncadd.s32 $0xFFFFFFFF  }
0xa5: {  	s26 =	simm.s32 $execute0_lowered;
	[smem:$0x3FD2] =	sst s25  }
0xa6: {  	s5 =	sshll.u32 s26, $0x1;
	_ =	strace $0x80000046;
	[dreg:$0x1] =	wrdreg $0xFFFFFFFF  }
0xa7: {  	s28 =	simm.s32 $_size_execute0_lowered;
	s3 =	sadd.s32 s3, s5;
	[dreg:$0x0] =	wrdreg $0x0  }
0xa8: {  	s5 =	sshll.u32 s28, $0x1;
	[dreg:$0x2] =	wrdreg s3  }
0xa9: {  	[dreg:$0x3] =	wrdreg s5  }
0xaa: {  	[dreg:$0x4] =	wrdreg $0xC0  }
0xab: {  	_ =	task [dreg:s7], $0x5FFFF  }
0xac: {  	[dreg:$0x1] =	wrdreg $0xFFFFFFFF  }
0xad: {  	[dreg:$0x0] =	wrdreg $0x60  }
0xae: {  	[dreg:$0x2] =	wrdreg s24  }
0xaf: {  	[dreg:$0x3] =	wrdreg s2  }
0xb0: {  	[dreg:$0x4] =	wrdreg $0x9  }
0xb1: {  	_ =	task.clear_ibuf [dreg:s7], $0x5FFFF;
	_ =	strace $0x90000046  }
0xb2: {  	s29 =	simm.s32 $0x9;
	_ =	strace $0x80000048  }
0xb3: {  	_ =	swait.ge [sflag:s29], $0x1  }
0xb4: {  	[sflag:s29] =	ssyncadd.s32 $0xFFFFFFFF  }
0xb5: {  	_ =	strace $0x90000048  }
0xb6: {  	_ =	sfence  }
0xb7: {  	s30 =	sld [smem:$0x0];
	_ =	sdelay $0x2  }
0xb8: {  	s31 =	sshll.u32 s1, $0xD;
	s1 =	sshrl.u32 s1, $0x2  }
0xb9: {  	s3 =	sand.u32 $0x4000, s31;
	s1 =	sadd.s32 s1, s30  }
0xba: {  	s0 =	sor.u32 s3, s0;
	s1 =	sshll.u32 s1, $0x11  }
0xbb: {  	s0 =	sor.u32 s1, s0  }
0xbc: {  	s0 =	sadd.s32 $0x8F2B, s0  }
0xbd: {  	[sflag:s0] =	ssyncadd.remote.s32 $0x1  }
0xbe: {  	_ =	sfence.sel $0xFFFF  }
0xbf: {  	[dreg:$0x0] =	wrdreg $0xFFFFFFFF;
	(pc) =	sbr.abs _section_cstart, $3  }
0xc0: {  	[dreg:$0x1] =	wrdreg $0xFFFFFFFF  }
0xc1: {  	_ =	task.clear_ibuf [dreg:s7], $0x2FFFF;
	_ =	strace $0x9FFFFFFF  }
0xc2: {  	(tm) =	ssettm $0x7FFFFFFF  }
0xc3: {  	_ =	shalt  }
tec
execute0_lowered:
.L_overlay_start_1:
0x0: {  	(tag) =	ssettag $0x1  }
0x1: {  	s1 =	srdreg.scid  }
0x2: {  	s0 =	stileid.u32;
	s3 =	sand.u32 $0x1, s1  }
0x3: {  	v1 =	vlaneseq.u32;
	s30 =	sshll.u32 s0, $0x6;
	s2 =	sshll.u32 s3, $0x5  }
0x4: {  	v4 =	vimm.s32 $0x2380;
	vm0 =	vcmask $0x300;
	vm1 =	vcmask $0x704;
	s4 =	sor.u32 s2, s30  }
0x5: {  	vm2 =	vcmask $0xB08;
	vm3 =	vcmask $0xF0C;
	v0 =	vmov s4  }
0x6: {  	vm4 =	vcmask $0x1310;
	v2 =	vor.u32 s4, v1;
	v3 =	vshll.u32 v0, $0x3  }
0x7: {  	v4 =	vsel vm0, $0x0, v4;
	v2 =	vand.u32 $0x6F, v2;
	v3 =	vand.u32 $0x1C00, v3  }
0x8: {  	v2 =	vor.u32 v2, v3;
	v3 =	vsel vm1, $0x80, v4;
	v4 =	vimm.s32 $0x6380  }
0x9: {  	vm14 =	vcmask $0x1714;
	vm15 =	vcmask $0x1B18;
	v4 =	vsel vm0, $0x4000, v4  }
0xa: {  	vm8 =	vcmask $0x1F1C;
	v3 =	vsel vm2, $0x100, v3;
	v4 =	vsel vm1, $0x4080, v4  }
0xb: {  	vm9 =	vcmask $0x2320;
	v3 =	vsel vm3, $0x180, v3;
	v4 =	vsel vm2, $0x4100, v4  }
0xc: {  	vm10 =	vcmask $0x2724;
	v3 =	vsel vm4, $0x200, v3;
	v4 =	vsel vm3, $0x4180, v4  }
0xd: {  	vm11 =	vcmask $0x2B28;
	v3 =	vsel vm14, $0x280, v3;
	v4 =	vsel vm4, $0x4200, v4  }
0xe: {  	vm12 =	vcmask $0x2F2C;
	v3 =	vsel vm15, $0x300, v3;
	v4 =	vsel vm14, $0x4280, v4  }
0xf: {  	vm13 =	vcmask $0x3330;
	s8 =	sor.u32 $0x10, s4;
	v3 =	vsel vm8, $0x380, v3;
	v4 =	vsel vm15, $0x4300, v4  }
0x10: {  	v5 =	vmov s8;
	v3 =	vsel vm9, $0x2000, v3;
	v4 =	vsel vm8, $0x4380, v4  }
0x11: {  	s5 =	rddreg [dreg:$0x0];
	v1 =	vor.u32 s8, v1;
	v3 =	vsel vm10, $0x2080, v3;
	v4 =	vsel vm9, $0x6000, v4  }
0x12: {  	s6 =	rddreg [dreg:$0x1];
	v5 =	vshll.u32 v5, $0x3;
	v3 =	vsel vm11, $0x2100, v3;
	v4 =	vsel vm10, $0x6080, v4  }
0x13: {  	s10 =	simm.s32 $0x8000;
	s11 =	simm.s32 $0x3;
	s12 =	simm.s32 $0x0;
	v6 =	vand.u32 $0x7F, v1;
	v3 =	vsel vm12, $0x2180, v3;
	v4 =	vsel vm11, $0x6100, v4  }
0x14: {  	s1 =	rddreg [dreg:$0x2];
	s7 =	ssub.s32 $0x2, s3;
	s2 =	simm.s32 $0x0;
	vm14 =	vcmask $0x3734;
	v3 =	vsel vm13, $0x2200, v3;
	v4 =	vsel vm12, $0x6180, v4  }
0x15: {  	s3 =	sadd.s32 $0x1200, s5;
	s9 =	sshrl.u32 s7, $0x1;
	[smem:$0x7FF] =	sst s2;
	vm15 =	vcmask $0x3B38;
	v3 =	vsel vm14, $0x2280, v3;
	v4 =	vsel vm13, $0x6200, v4  }
0x16: {  	s7 =	ssub.s32 s7, s9;
	s31 =	sshll.u32 s4, $0x7;
	s4 =	sadd.s32 $0xA00, s5;
	v5 =	vand.u32 $0x7FFFFC00, v5;
	v3 =	vsel vm15, $0x2300, v3;
	v4 =	vsel vm14, $0x6280, v4  }
0x17: {  	s9 =	simm.s32 $0x2;
	_ =	strace $0x80000047;
	s5 =	sadd.s32 s6, s31;
	v1 =	vor.u32 v3, v2;
	v2 =	vor.u32 v6, v5;
	v3 =	vsel vm15, $0x6300, v4  }
0x18: {  	s6 =	smax.u32 s7, $0x1;
	s7 =	simm.s32 $0x4000;
	s8 =	simm.s32 $0x1;
	v4 =	vimm.f32 $1.000000000e+00;
	v2 =	vadd.s32 v3, v2;
	v3 =	vimm.f32 $0.0e+00  }
.LBB2_1:
0x19: {  	[tilespmem:s2], [sflag:$0x1] =	stream.linear.gather [hbm4b:s3+s2], $0x4000, $0x38;
	[tilespmem:$0x10000] =	vst v63  }
0x1a: {  	s13 =	simm.s32 $0x0;
	s14 =	simm.s32 $0x0  }
0x1b: {  	s15 =	sand.u32 $0x1C00, s2;
	s30 =	sand.u32 $0x40, s2;
	s13 =	sand.u32 $0x6000, s13  }
0x1c: {  	[tilespmem:s7], [sflag:$0x2] =	stream.linear.gather [hbm4b:s4+s2], $0x4000, $0x38;
	[tilespmem:$0x10000] =	vst v63  }
0x1d: {  	s31 =	simm.s32 $0x40;
	s14 =	sand.u32 $0x380, s14;
	s13 =	sor.u32 s15, s13  }
0x1e: {  	s16 =	simm.s32 $0x8;
	s13 =	sor.u32 s14, s13;
	s14 =	simm.s32 $0x200  }
0x1f: {  	s15 =	sand.u32 $0x6000, s31;
	s13 =	sor.u32 s30, s13;
	s17 =	sand.u32 $0x1C00, s14  }
0x20: {  	s16 =	sand.u32 $0x380, s16;
	s17 =	sor.u32 s17, s15;
	[tilespmem:s13+$0x8030] =	vst v3;
	s15 =	simm.s32 $0x40  }
0x21: {  	[tilespmem:s13+$0x8020] =	vst v3;
	s18 =	sand.u32 $0x40, s15;
	s17 =	sor.u32 s16, s17  }
0x22: {  	[tilespmem:s13+$0x8010] =	vst v3;
	s16 =	simm.s32 $0x4;
	s17 =	sor.u32 s18, s17  }
.LBB2_2:
0x23: {  	s16 =	sadd.s32 $0x4, s16  }
0x24: {  	s14 =	sadd.s32 $0x200, s14;
	[tilespmem:s13+$0x8000] =	vst v3;
	s13 =	smov.u32 s17;
	p0 =	slt.u32 s16, $0x7FC  }
.Ltmp0:
0x25: {  	s17 =	sshll.u32 s16, $0x4;
	s18 =	sshll.u32 s16, $0x1;
	(pc) =	sbr.rel @p0 .LBB2_2-.Ltmp0, $4  }
0x26: {  	s19 =	sand.u32 $0x1C00, s14;
	s17 =	sand.u32 $0x6000, s17  }
0x27: {  	s15 =	sadd.s32 $0x40, s15;
	s18 =	sand.u32 $0x380, s18;
	s17 =	sor.u32 s19, s17;
	[tilespmem:s13+$0x8030] =	vst v3  }
0x28: {  	s19 =	sand.u32 $0x40, s15;
	s17 =	sor.u32 s18, s17;
	[tilespmem:s13+$0x8020] =	vst v3  }
0x29: {  	s17 =	sor.u32 s19, s17;
	[tilespmem:s13+$0x8010] =	vst v3  }
0x2a: {  	[tilespmem:s13+$0x8000] =	vst v3  }
0x2b: {  	[tilespmem:s17+$0x8030] =	vst v3  }
0x2c: {  	[tilespmem:s17+$0x8020] =	vst v3  }
0x2d: {  	[tilespmem:s17+$0x8010] =	vst v3  }
0x2e: {  	[tilespmem:s17+$0x8000] =	vst v3  }
0x2f: {  	_ =	swait.ge [sflag:s8], $0x4000  }
0x30: {  	[sflag:s8] =	ssyncset.done $0x0  }
0x31: {  	[sflag:s8] =	ssyncadd.s32 $0xFFFFC000  }
0x32: {  	_ =	swait.ge [sflag:s9], $0x4000  }
0x33: {  	[sflag:s9] =	ssyncset.done $0x0  }
0x34: {  	[sflag:s9] =	ssyncadd.s32 $0xFFFFC000  }
0x35: {  	[tilespmem:v1+s10+$0x0] =	vst.idx.msk $0xffff, v4  }
0x36: {  	s14 =	simm.s32 $0x4040;
	[tilespmem:v2+s10+$0x0] =	vst.idx.msk $0xffff, v4  }
0x37: {  	s13 =	simm.s32 $0x40;
	v5 =	vld [tilespmem:s14+$0x30]  }
0x38: {  	v6 =	vld [tilespmem:s13+$0x30]  }
0x39: {  	v16 =	vld [tilespmem:s14+$0xFFFFFFC0]  }
0x3a: {  	v22 =	vld [tilespmem:s14+$0x20]  }
0x3b: {  	v23 =	vld [tilespmem:s13+$0xFFFFFFD0]  }
0x3c: {  	v26 =	vld [tilespmem:s13+$0xFFFFFFE0]  }
0x3d: {  	v12 =	vld [tilespmem:s13+$0xFFFFFFF0]  }
0x3e: {  	v13 =	vld [tilespmem:s13+$0x0]  }
0x3f: {  	v28 =	vld [tilespmem:s13+$0xFFFFFFC0]  }
0x40: {  	v14 =	vld [tilespmem:s13+$0x10]  }
0x41: {  	v21 =	vld [tilespmem:s14+$0x10]  }
0x42: {  	v18 =	vld [tilespmem:s14+$0xFFFFFFE0];
	v7 =	vsub.s32 v5, v0;
	v9 =	vshll.u32 v6, $0x3;
	v10 =	vshll.u32 v5, $0x7  }
0x43: {  	v5 =	vsub.s32 v16, v0;
	v11 =	vsub.s32 v22, v0;
	v31 =	vshll.u32 v23, $0x3  }
0x44: {  	v35 =	vshll.u32 v26, $0x3;
	v36 =	vshll.u32 v12, $0x3;
	v37 =	vshll.u32 v13, $0x3  }
0x45: {  	v38 =	vshll.u32 v28, $0x3;
	v60 =	vshll.u32 v14, $0x3;
	v16 =	vshll.u32 v16, $0x7  }
0x46: {  	v39 =	vshll.u32 v21, $0x7;
	v22 =	vshll.u32 v22, $0x7;
	v8 =	vshll.u32 v7, $0xA  }
0x47: {  	v9 =	vand.u32 $0xFFFFFC00, v9;
	vm0 =	vlt.u32 v7, $0x20;
	v7 =	vsub.s32 v18, v0  }
0x48: {  	v15 =	vshll.u32 v5, $0xA;
	v33 =	vshll.u32 v11, $0xA;
	v31 =	vand.u32 $0xFFFFFC00, v31  }
0x49: {  	v17 =	vld [tilespmem:s14+$0xFFFFFFD0];
	v38 =	vand.u32 $0xFFFFFC00, v38;
	v35 =	vand.u32 $0xFFFFFC00, v35;
	v36 =	vand.u32 $0xFFFFFC00, v36  }
0x4a: {  	v37 =	vand.u32 $0xFFFFFC00, v37;
	v18 =	vshll.u32 v18, $0x7;
	v16 =	vand.u32 $0x380, v16  }
0x4b: {  	v19 =	vld [tilespmem:s14+$0xFFFFFFF0];
	v63 =	vand.u32 $0x380, v22;
	v8 =	vand.u32 $0xFFFFE000, v8;
	v27 =	vshll.u32 v7, $0xA  }
0x4c: {  	v34 =	vand.u32 $0xFFFFE000, v15;
	v33 =	vand.u32 $0xFFFFE000, v33;
	v18 =	vand.u32 $0x380, v18  }
0x4d: {  	v20 =	vld [tilespmem:s14+$0x0];
	v8 =	vadd.s32 v9, v8;
	v9 =	vand.u32 $0x380, v10;
	v10 =	vand.u32 $0x7F, v6  }
0x4e: {  	v6 =	vsub.s32 v17, v0;
	v27 =	vand.u32 $0xFFFFE000, v27;
	v34 =	vadd.s32 v38, v34  }
0x4f: {  	v38 =	vand.u32 $0xFFFFFC00, v60;
	v17 =	vshll.u32 v17, $0x7;
	v8 =	vor.u32 v9, v8  }
0x50: {  	v9 =	vsub.s32 v19, v0;
	v25 =	vshll.u32 v6, $0xA;
	v19 =	vshll.u32 v19, $0x7  }
0x51: {  	v27 =	vadd.s32 v35, v27;
	v17 =	vand.u32 $0x380, v17;
	v24 =	vor.u32 v10, v8  }
0x52: {  	v15 =	vld [tilespmem:s13+$0x20];
	v8 =	vsub.s32 v20, v0;
	v10 =	vsub.s32 v21, v0;
	v29 =	vshll.u32 v9, $0xA  }
0x53: {  	v25 =	vand.u32 $0xFFFFE000, v25;
	v20 =	vshll.u32 v20, $0x7;
	v19 =	vand.u32 $0x380, v19  }
0x54: {  	v21 =	vor.u32 v16, v34;
	v16 =	vand.u32 $0x380, v39;
	v30 =	vshll.u32 v8, $0xA  }
0x55: {  	v32 =	vshll.u32 v10, $0xA;
	v29 =	vand.u32 $0xFFFFE000, v29;
	v25 =	vadd.s32 v31, v25  }
0x56: {  	v62 =	vand.u32 $0x380, v20;
	v20 =	vor.u32 v18, v27;
	v30 =	vand.u32 $0xFFFFE000, v30  }
0x57: {  	v32 =	vand.u32 $0xFFFFE000, v32;
	v61 =	vshll.u32 v15, $0x3;
	v29 =	vadd.s32 v36, v29  }
0x58: {  	v22 =	vor.u32 v17, v25;
	v25 =	vand.u32 $0x7F, v28;
	v31 =	vand.u32 $0xFFFFFC00, v61  }
0x59: {  	v30 =	vadd.s32 v37, v30;
	v32 =	vadd.s32 v38, v32;
	v19 =	vor.u32 v19, v29  }
0x5a: {  	v31 =	vadd.s32 v31, v33;
	v18 =	vor.u32 v62, v30;
	v17 =	vor.u32 v16, v32  }
0x5b: {  	s15 =	simm.s32 $0x40C0;
	s14 =	simm.s32 $0x0;
	v16 =	vor.u32 v63, v31;
	[tilespmem:v24+s10+$0x0] =	vst.idx.msk vm0, v4;
	v24 =	vand.u32 $0x7F, v23;
	v23 =	vand.u32 $0x7F, v26  }
.LBB2_4:
0x5c: {  	v26 =	vld [tilespmem:s15+$0x30];
	s14 =	sadd.s32 $0x8, s14;
	v12 =	vand.u32 $0x7F, v12;
	v13 =	vand.u32 $0x7F, v13;
	v14 =	vand.u32 $0x7F, v14;
	s13 =	sadd.s32 $0x80, s13  }
0x5d: {  	v21 =	vor.u32 v25, v21;
	v22 =	vor.u32 v24, v22;
	v15 =	vand.u32 $0x7F, v15;
	v27 =	vld [tilespmem:s13+$0x30];
	p0 =	slt.u32 s14, $0x3F8  }
0x5e: {  	v20 =	vor.u32 v23, v20;
	v19 =	vor.u32 v12, v19;
	v18 =	vor.u32 v13, v18;
	v24 =	vld [tilespmem:s15+$0xFFFFFFC0]  }
0x5f: {  	vm7 =	vlt.u32 v5, $0x20;
	v17 =	vor.u32 v14, v17;
	v16 =	vor.u32 v15, v16;
	v23 =	vld [tilespmem:s15+$0xFFFFFFD0]  }
0x60: {  	vm5 =	vlt.u32 v6, $0x20;
	vm4 =	vlt.u32 v7, $0x20;
	vm3 =	vlt.u32 v9, $0x20;
	v25 =	vld [tilespmem:s15+$0xFFFFFFE0]  }
0x61: {  	vm2 =	vlt.u32 v8, $0x20;
	vm0 =	vlt.u32 v10, $0x20;
	v28 =	vld [tilespmem:s15+$0xFFFFFFF0];
	v6 =	vsub.s32 v26, v0  }
0x62: {  	vm1 =	vlt.u32 v11, $0x20;
	v29 =	vld [tilespmem:s15+$0x0];
	v5 =	vshll.u32 v6, $0xA;
	v7 =	vshll.u32 v27, $0x3  }
0x63: {  	v9 =	vshll.u32 v26, $0x7;
	v30 =	vld [tilespmem:s15+$0x10];
	v8 =	vand.u32 $0xFFFFE000, v5;
	v7 =	vand.u32 $0xFFFFFC00, v7  }
0x64: {  	v5 =	vsub.s32 v24, v0;
	v26 =	vld [tilespmem:s15+$0x20];
	v7 =	vadd.s32 v7, v8;
	v8 =	vand.u32 $0x380, v9  }
0x65: {  	vm6 =	vlt.u32 v6, $0x20;
	v9 =	vand.u32 $0x7F, v27;
	v31 =	vld [tilespmem:s13+$0xFFFFFFD0];
	v8 =	vor.u32 v8, v7;
	[tilespmem:v21+s10+$0x0] =	vst.idx.msk vm7, v4  }
0x66: {  	v6 =	vsub.s32 v23, v0;
	v7 =	vsub.s32 v25, v0;
	v27 =	vld [tilespmem:s13+$0xFFFFFFE0];
	v21 =	vor.u32 v9, v8  }
0x67: {  	v32 =	vshll.u32 v5, $0xA;
	v9 =	vsub.s32 v28, v0;
	v12 =	vld [tilespmem:s13+$0xFFFFFFF0];
	v8 =	vsub.s32 v29, v0;
	[tilespmem:v22+s10+$0x0] =	vst.idx.msk vm5, v4  }
0x68: {  	v33 =	vshll.u32 v7, $0xA;
	v22 =	vshll.u32 v6, $0xA;
	v13 =	vld [tilespmem:s13+$0x0];
	v10 =	vsub.s32 v30, v0;
	[tilespmem:v20+s10+$0x0] =	vst.idx.msk vm4, v4  }
0x69: {  	v20 =	vshll.u32 v9, $0xA;
	v34 =	vshll.u32 v8, $0xA;
	v14 =	vld [tilespmem:s13+$0x10];
	v11 =	vsub.s32 v26, v0;
	[tilespmem:v19+s10+$0x0] =	vst.idx.msk vm3, v4  }
0x6a: {  	v35 =	vshll.u32 v10, $0xA;
	v19 =	vshll.u32 v31, $0x3;
	v15 =	vld [tilespmem:s13+$0x20];
	v36 =	vshll.u32 v11, $0xA;
	[tilespmem:v18+s10+$0x0] =	vst.idx.msk vm2, v4  }
0x6b: {  	v22 =	vand.u32 $0xFFFFE000, v22;
	v18 =	vand.u32 $0xFFFFE000, v32;
	v37 =	vld [tilespmem:s13+$0xFFFFFFC0];
	v32 =	vshll.u32 v27, $0x3;
	[tilespmem:v21+s10+$0x0] =	vst.idx.msk vm6, v4  }
0x6c: {  	v20 =	vand.u32 $0xFFFFE000, v20;
	v21 =	vand.u32 $0xFFFFE000, v33;
	v33 =	vshll.u32 v12, $0x3;
	[tilespmem:v17+s10+$0x0] =	vst.idx.msk vm0, v4  }
0x6d: {  	v35 =	vand.u32 $0xFFFFE000, v35;
	v17 =	vand.u32 $0xFFFFE000, v34;
	v34 =	vshll.u32 v13, $0x3;
	[tilespmem:v16+s10+$0x0] =	vst.idx.msk vm1, v4  }
0x6e: {  	v36 =	vand.u32 $0xFFFFE000, v36;
	v16 =	vand.u32 $0xFFFFFC00, v19;
	v19 =	vshll.u32 v14, $0x3  }
0x6f: {  	v32 =	vand.u32 $0xFFFFFC00, v32;
	v33 =	vand.u32 $0xFFFFFC00, v33;
	v38 =	vshll.u32 v15, $0x3  }
0x70: {  	v34 =	vand.u32 $0xFFFFFC00, v34;
	v19 =	vand.u32 $0xFFFFFC00, v19;
	v39 =	vshll.u32 v37, $0x3  }
0x71: {  	v24 =	vshll.u32 v24, $0x7;
	v38 =	vand.u32 $0xFFFFFC00, v38;
	v39 =	vand.u32 $0xFFFFFC00, v39  }
0x72: {  	v23 =	vshll.u32 v23, $0x7;
	v25 =	vshll.u32 v25, $0x7;
	v28 =	vshll.u32 v28, $0x7  }
0x73: {  	v29 =	vshll.u32 v29, $0x7;
	v30 =	vshll.u32 v30, $0x7;
	v26 =	vshll.u32 v26, $0x7  }
0x74: {  	v32 =	vadd.s32 v32, v21;
	v16 =	vadd.s32 v16, v22;
	v18 =	vadd.s32 v39, v18  }
0x75: {  	v33 =	vadd.s32 v33, v20;
	v17 =	vadd.s32 v34, v17;
	v34 =	vadd.s32 v19, v35  }
0x76: {  	v20 =	vand.u32 $0x380, v23;
	v19 =	vand.u32 $0x380, v24;
	v23 =	vadd.s32 v38, v36  }
.Ltmp1:
0x77: {  	v24 =	vand.u32 $0x380, v25;
	v25 =	vand.u32 $0x380, v28;
	v28 =	vand.u32 $0x380, v29;
	(pc) =	sbr.rel @p0 .LBB2_4-.Ltmp1, $4  }
0x78: {  	v26 =	vand.u32 $0x380, v26;
	v29 =	vand.u32 $0x380, v30;
	v21 =	vor.u32 v19, v18  }
0x79: {  	v22 =	vor.u32 v20, v16;
	v20 =	vor.u32 v24, v32;
	v19 =	vor.u32 v25, v33  }
0x7a: {  	v16 =	vor.u32 v26, v23;
	v18 =	vor.u32 v28, v17;
	v17 =	vor.u32 v29, v34  }
0x7b: {  	s15 =	sadd.s32 $0x80, s15;
	v24 =	vand.u32 $0x7F, v31;
	v23 =	vand.u32 $0x7F, v27;
	v25 =	vand.u32 $0x7F, v37  }
0x7c: {  	vm0 =	vlt.u32 v5, $0x20  }
0x7d: {  	v5 =	vor.u32 v25, v21;
	vm1 =	vlt.u32 v6, $0x20  }
0x7e: {  	v6 =	vor.u32 v24, v22;
	vm2 =	vlt.u32 v7, $0x20  }
0x7f: {  	v7 =	vand.u32 $0x7F, v12;
	v60 =	vor.u32 v23, v20;
	vm3 =	vlt.u32 v9, $0x20  }
0x80: {  	v61 =	vand.u32 $0x7F, v13;
	vm4 =	vlt.u32 v8, $0x20;
	v7 =	vor.u32 v7, v19  }
0x81: {  	v62 =	vand.u32 $0x7F, v14;
	vm5 =	vlt.u32 v10, $0x20;
	v9 =	vor.u32 v61, v18  }
0x82: {  	v63 =	vand.u32 $0x7F, v15;
	vm6 =	vlt.u32 v11, $0x20;
	v8 =	vor.u32 v62, v17;
	[tilespmem:v5+s10+$0x0] =	vst.idx.msk vm0, v4  }
0x83: {  	v5 =	vor.u32 v63, v16;
	[tilespmem:v6+s10+$0x0] =	vst.idx.msk vm1, v4  }
0x84: {  	[tilespmem:v60+s10+$0x0] =	vst.idx.msk vm2, v4  }
0x85: {  	[tilespmem:v7+s10+$0x0] =	vst.idx.msk vm3, v4  }
0x86: {  	s12 =	sadd.s32 $0x1, s12;
	[tilespmem:v9+s10+$0x0] =	vst.idx.msk vm4, v4  }
0x87: {  	p0 =	sne.s32 s12, s6;
	[tilespmem:v8+s10+$0x0] =	vst.idx.msk vm5, v4  }
.Ltmp2:
0x88: {  	[tilespmem:v5+s10+$0x0] =	vst.idx.msk vm6, v4;
	(pc) =	sbr.rel @p0 .LBB2_1-.Ltmp2, $4  }
0x89: {  	[hbm4b:s5+s2] =	stream.linear.scatter [tilespmem:s10], [sflag:$0x3], $0x8000, $0x38;
	[tilespmem:$0x10000] =	vst v63  }
0x8a: {  	_ =	swait.ge [sflag:s11], $0x8000  }
0x8b: {  	[sflag:s11] =	ssyncset.done $0x0  }
0x8c: {  	[sflag:s11] =	ssyncadd.s32 $0xFFFF8000  }
0x8d: {  	_ =	sfence.sel $0x180000  }
0x8e: {  	[bflag:$0x0] =	sbarrier.arrive $0xFFFF  }
0x8f: {  	p0 =	sne.s32 s0, $0x0;
	_ =	strace $0x90000047  }
0x90: {  	s0 =	sadd.s32 @!p0 $0x100000, s1;
	[bflag:$0x2] =	sbarrier.arrive $0xFFFF  }
0x91: {  	[sflag:s0] =	ssyncadd.tile.s32 @!p0 $0x1;
	_ =	shalt  }
.Lfunc_end2:
_tile_overlayer_lowered:
.L_overlay_start_2:
0x92: {  	(tag) =	ssettag $0x2  }
0x93: {  	s0 =	rddreg [dreg:$0x0];
	s2 =	stileid.u32  }
0x94: {  	s1 =	rddreg [dreg:$0x1];
	p0 =	sne.s32 s2, $0x0  }
0x95: {  	s3 =	rddreg [dreg:$0x2];
	[bflag:$0x3] =	sbarrier.arrive $0xFFFF;
	s2 =	simm.s32 @!p0 $0x1C03  }
0x96: {  	[timem:s3], [sflag:s2] =	dma.local @!p0 [hbm:s0], s1  }
0x97: {  	s0 =	simm.s32 @!p0 $0x3  }
0x98: {  	_ =	swait.ge @!p0 [sflag:s0], s1  }
0x99: {  	s1 =	ssub.s32 @!p0 $0x0, s1;
	[sflag:s0] =	ssyncset.done @!p0 $0x0  }
0x9a: {  	[sflag:s0] =	ssyncadd.s32 @!p0 s1  }
0x9b: {  	[bflag:$0x3] =	sbarrier.arrive $0xFFFF  }
0x9c: {  	_ =	shalt  }

</sc_bundles>
